<compile_context>
chip_gen: v7x
topology: tpu7x:2x2x1
jax: 0.10.2.dev20260603
libtpu: 0.0.44.dev20260713+nightly
codegen_flags: <defaults>
</compile_context>

<pallas_src>
import functools

import jax
import jax.numpy as jnp
from jax import lax
from jax.experimental import pallas as pl
from jax.experimental.pallas import tpu as pltpu
from jax.experimental.pallas import tpu_sc as plsc

_D = 64
_L = 128
_NBLK = 2560


@functools.partial(jax.jit, static_argnames=("t_dim", "b_dim"))
def _gather_sc(idx2d, w2, t_dim, b_dim):
    info = plsc.get_sparse_core_info()
    nw = info.num_cores * info.num_subcores
    blk_per_w = _NBLK // nw
    pairs = blk_per_w // 2
    mesh = plsc.VectorSubcoreMesh(core_axis_name="c", subcore_axis_name="s")

    @functools.partial(
        pl.kernel,
        mesh=mesh,
        out_type=jax.ShapeDtypeStruct((_NBLK * _L, _L), jnp.float32),
        scratch_types=[
            pltpu.VMEM((blk_per_w, _L), jnp.int32),
            pltpu.VMEM((_L, _L), jnp.float32),
            pltpu.VMEM((_L, _L), jnp.float32),
            pltpu.SemaphoreType.DMA,
            pltpu.SemaphoreType.DMA,
            pltpu.SemaphoreType.DMA,
            pltpu.SemaphoreType.DMA,
        ],
        compiler_params=pltpu.CompilerParams(needs_layout_passes=False),
    )
    def k(idx_hbm, w_hbm, out_hbm, idx_v, raw0, raw1,
          g0, g1, w0, w1):
        wid = lax.axis_index("s") * info.num_cores + lax.axis_index("c")
        r0 = wid * blk_per_w
        gsems = (g0, g1)
        wsems = (w0, w1)
        raws = (raw0, raw1)

        pltpu.sync_copy(idx_hbm.at[pl.ds(r0, blk_per_w)], idx_v)

        def desc_g(rloc, slot):
            return pltpu.make_async_copy(
                w_hbm.at[idx_v.at[rloc]], raws[slot], gsems[slot])

        def desc_w(rloc, slot):
            r = r0 + rloc
            return pltpu.make_async_copy(
                raws[slot], out_hbm.at[pl.ds(r * _L, _L)], wsems[slot])

        desc_g(0, 0).start()

        def body(g, carry):
            for slot in (0, 1):
                rloc = 2 * g + slot
                other = 1 - slot
                desc_g(rloc, slot).wait()
                if slot == 0:
                    desc_g(rloc + 1, other).start()
                else:
                    @pl.when(g < pairs - 1)
                    def _():
                        desc_g(rloc + 1, other).start()

                @pl.when(g > 0)
                def _():
                    desc_w(rloc - 2, slot).wait()
                desc_w(rloc, slot).start()
            return carry

        lax.fori_loop(0, pairs, body, 0)
        desc_w(blk_per_w - 2, 0).wait()
        desc_w(blk_per_w - 1, 1).wait()

    return k(idx2d, w2)


def kernel(input_, weight):
    b, t = input_.shape
    idx2d = input_.T.astype(jnp.int32).reshape(_NBLK, _L)
    w2 = jnp.pad(weight, ((0, 0), (0, 2 * _D - weight.shape[1])))
    out = _gather_sc(idx2d, w2, t, b)
    return jnp.transpose(out.reshape(t, b, _L)[:, :, :_D], (1, 0, 2))

# --- scband reference (transcript-rebuilt; emitter-appended) ---
"""Pipeline reference for scband-vocab-parallel-embedding-75960791597312 (READ-ONLY COPY).

The authoritative reference and input builder live on the scoring server;
editing this copy changes nothing except your own understanding.
"""

import jax, jax.numpy as jnp
import numpy as np

VOCAB = 1000000
EMBED_DIM = 64

# Single-rank (tp_size=1) VocabParallelEmbedding: org_vocab_size = num_embeddings = 1000000,
# which is already a multiple of padding_size=64, so num_embeddings_padded == VOCAB and
# there is no added (LoRA) vocab and no padding rows. With tp_size=1 the shard covers the
# full vocab: org_vocab_start_index=0, org_vocab_end_index=VOCAB, so the mask is all-valid
# and forward reduces to a plain embedding gather followed by a (no-op) all-reduce.

def setup_inputs(seed: int = 0) -> dict:
    key = jax.random.key(seed)
    k_idx, k_w = jax.random.split(key)
    input_ = jax.random.randint(k_idx, (16384, 20), 0, VOCAB, dtype=jnp.int64)
    weight = jax.random.normal(k_w, (VOCAB, EMBED_DIM), dtype=jnp.float32) * 0.02
    return {"input_": input_, "weight": weight}

def get_masked_input_and_mask(input_, org_start, org_end, num_org_pad, added_start, added_end):
    org_mask = (input_ >= org_start) & (input_ < org_end)
    added_mask = (input_ >= added_start) & (input_ < added_end)
    added_offset = added_start - (org_end - org_start) - num_org_pad
    valid_offset = org_start * org_mask.astype(input_.dtype) + added_offset * added_mask.astype(input_.dtype)
    vocab_mask = org_mask | added_mask
    masked_input = vocab_mask.astype(input_.dtype) * (input_ - valid_offset)
    return masked_input, ~vocab_mask

def reference(input_, weight):
    # tp_size == 1 path: no masking needed, but we keep the faithful masked path
    # (mask is all-False for in-range ids, identical result).
    masked_input, input_mask = get_masked_input_and_mask(
        input_, 0, VOCAB, 0, VOCAB, VOCAB)
    output_parallel = jnp.take(weight, masked_input, axis=0)
    output_parallel = jnp.where(input_mask[..., None], 0.0, output_parallel)
    # all-reduce across TP group is a no-op for tp_size=1
    return output_parallel

if __name__ == "__main__":
    import jax
    _d = setup_inputs()
    print(jax.jit(kernel)(*tuple(_d.values())))

</pallas_src>

<mosaic_0001>
#map = affine_map<(d0, d1) -> (0, 0)>
module attributes {stable_mosaic.version = 14 : i64} {
  func.func @k(%arg0: i32, %arg1: i32, %arg2: memref<2560x128xi32, #tpu.memory_space<hbm>>, %arg3: memref<1000000x128xf32, #tpu.memory_space<hbm>>, %arg4: memref<327680x128xf32, #tpu.memory_space<hbm>>, %arg5: memref<80x128xi32, #tpu.memory_space<vmem>>, %arg6: memref<128x128xf32, #tpu.memory_space<vmem>>, %arg7: memref<128x128xf32, #tpu.memory_space<vmem>>, %arg8: memref<!tpu.dma_semaphore, #tpu.memory_space<semaphore_mem>>, %arg9: memref<!tpu.dma_semaphore, #tpu.memory_space<semaphore_mem>>, %arg10: memref<!tpu.dma_semaphore, #tpu.memory_space<semaphore_mem>>, %arg11: memref<!tpu.dma_semaphore, #tpu.memory_space<semaphore_mem>>) attributes {dimension_semantics = [#tpu.dimension_semantics<core_parallel>, #tpu.dimension_semantics<subcore_parallel>], iteration_bounds = array<i64: 2, 16>, scalar_prefetch = 0 : i64, scratch_operands = 7 : i64, tpu.core_type = #tpu.core_type<sc_vector_subcore>, window_params = [{transform_indices = #map}, {transform_indices = #map}, {transform_indices = #map}]} {
    %mul3A = arith.constant 2 : i32
    %mul3A_0 = arith.muli %arg1, %mul3A : i32
    %add3A = arith.addi %mul3A_0, %arg0 : i32
    %mul3A_1 = arith.constant 80 : i32
    %mul3A_2 = arith.muli %add3A, %mul3A_1 : i32
    "tpu.region"() ({
      %run_scoped3A = tpu.sem_alloc : memref<!tpu.dma_semaphore, #tpu.memory_space<semaphore_mem>>
      %dma_start3A_29 = arith.constant 0 : i32
      %dma_start3A_30 = tpu.memref_slice %arg2[%mul3A_2, %dma_start3A_29] : memref<2560x128xi32, #tpu.memory_space<hbm>> -> memref<80x128xi32, #tpu.memory_space<hbm>>
      %dma_start3A_31 = arith.constant 0 : i32
      %dma_start3A_32 = tpu.memref_slice %arg2[%mul3A_2, %dma_start3A_31] : memref<2560x128xi32, #tpu.memory_space<hbm>> -> memref<80x128xi32, #tpu.memory_space<hbm>>
      tpu.enqueue_dma source(%dma_start3A_32 : memref<80x128xi32, #tpu.memory_space<hbm>>) target(%arg5 : memref<80x128xi32, #tpu.memory_space<vmem>>) target_semaphore(%run_scoped3A : memref<!tpu.dma_semaphore, #tpu.memory_space<semaphore_mem>>)
      %dma_wait3A_33 = arith.constant 0 : i32
      %dma_wait3A_34 = tpu.memref_slice %arg2[%mul3A_2, %dma_wait3A_33] : memref<2560x128xi32, #tpu.memory_space<hbm>> -> memref<80x128xi32, #tpu.memory_space<hbm>>
      %dma_wait3A_35 = arith.constant 0 : i32
      %dma_wait3A_36 = tpu.memref_slice %arg2[%mul3A_2, %dma_wait3A_35] : memref<2560x128xi32, #tpu.memory_space<hbm>> -> memref<80x128xi32, #tpu.memory_space<hbm>>
      tpu.wait_dma2 semaphore(%run_scoped3A : memref<!tpu.dma_semaphore, #tpu.memory_space<semaphore_mem>>) src(%dma_wait3A_36 : memref<80x128xi32, #tpu.memory_space<hbm>>) dst(%arg5 : memref<80x128xi32, #tpu.memory_space<vmem>>)
      tpu.yield
    }) : () -> ()
    %dma_start3A = arith.constant 0 : i32
    %dma_start3A_3 = arith.constant 0 : i32
    %dma_start3A_4 = tpu.memref_slice %arg5[%dma_start3A, %dma_start3A_3] : memref<80x128xi32, #tpu.memory_space<vmem>> -> memref<1x128xi32, #tpu.memory_space<vmem>>
    %dma_start3A_5 = tpu.memref_squeeze %dma_start3A_4 : memref<1x128xi32, #tpu.memory_space<vmem>> -> memref<128xi32, #tpu.memory_space<vmem>>
    %dma_start3A_6 = arith.constant 0 : i32
    %dma_start3A_7 = arith.constant 0 : i32
    %dma_start3A_8 = tpu.memref_slice %arg3[%dma_start3A_6, %dma_start3A_7] : memref<1000000x128xf32, #tpu.memory_space<hbm>> -> memref<1000000x128xf32, #tpu.memory_space<hbm>>
    tpu.enqueue_indirect_dma source(%dma_start3A_8 : memref<1000000x128xf32, #tpu.memory_space<hbm>>) target(%arg6 : memref<128x128xf32, #tpu.memory_space<vmem>>) offsets(%dma_start3A_5 : memref<128xi32, #tpu.memory_space<vmem>>) semaphore(%arg8 : memref<!tpu.dma_semaphore, #tpu.memory_space<semaphore_mem>>)
    %scan3A = arith.constant 0 : i32
    %scan3A_9 = arith.constant 0 : i32
    %scan3A_10 = arith.constant 40 : i32
    %scan3A_11 = arith.addi %scan3A_9, %scan3A_10 : i32
    %scan3A_12 = arith.constant 1 : i32
    scf.for %scan3A_29 = %scan3A_9 to %scan3A_11 step %scan3A_12  : i32 {
      %mul3A_30 = arith.constant 2 : i32
      %mul3A_31 = arith.muli %mul3A_30, %scan3A_29 : i32
      %add3A_32 = arith.constant 0 : i32
      %add3A_33 = arith.addi %mul3A_31, %add3A_32 : i32
      %dma_wait3A_34 = arith.constant 0 : i32
      %dma_wait3A_35 = tpu.memref_slice %arg5[%add3A_33, %dma_wait3A_34] : memref<80x128xi32, #tpu.memory_space<vmem>> -> memref<1x128xi32, #tpu.memory_space<vmem>>
      %dma_wait3A_36 = tpu.memref_squeeze %dma_wait3A_35 : memref<1x128xi32, #tpu.memory_space<vmem>> -> memref<128xi32, #tpu.memory_space<vmem>>
      %dma_wait3A_37 = arith.constant 0 : i32
      %dma_wait3A_38 = arith.constant 0 : i32
      %dma_wait3A_39 = tpu.memref_slice %arg3[%dma_wait3A_37, %dma_wait3A_38] : memref<1000000x128xf32, #tpu.memory_space<hbm>> -> memref<1000000x128xf32, #tpu.memory_space<hbm>>
      tpu.wait_indirect_dma semaphore(%arg8 : memref<!tpu.dma_semaphore, #tpu.memory_space<semaphore_mem>>) src(%dma_wait3A_39 : memref<1000000x128xf32, #tpu.memory_space<hbm>>) dst(%arg6 : memref<128x128xf32, #tpu.memory_space<vmem>>)
      %add3A_40 = arith.constant 1 : i32
      %add3A_41 = arith.addi %add3A_33, %add3A_40 : i32
      %dma_start3A_42 = arith.constant 0 : i32
      %dma_start3A_43 = tpu.memref_slice %arg5[%add3A_41, %dma_start3A_42] : memref<80x128xi32, #tpu.memory_space<vmem>> -> memref<1x128xi32, #tpu.memory_space<vmem>>
      %dma_start3A_44 = tpu.memref_squeeze %dma_start3A_43 : memref<1x128xi32, #tpu.memory_space<vmem>> -> memref<128xi32, #tpu.memory_space<vmem>>
      %dma_start3A_45 = arith.constant 0 : i32
      %dma_start3A_46 = arith.constant 0 : i32
      %dma_start3A_47 = tpu.memref_slice %arg3[%dma_start3A_45, %dma_start3A_46] : memref<1000000x128xf32, #tpu.memory_space<hbm>> -> memref<1000000x128xf32, #tpu.memory_space<hbm>>
      tpu.enqueue_indirect_dma source(%dma_start3A_47 : memref<1000000x128xf32, #tpu.memory_space<hbm>>) target(%arg7 : memref<128x128xf32, #tpu.memory_space<vmem>>) offsets(%dma_start3A_44 : memref<128xi32, #tpu.memory_space<vmem>>) semaphore(%arg9 : memref<!tpu.dma_semaphore, #tpu.memory_space<semaphore_mem>>)
      %gt3A = arith.constant 0 : i32
      %gt3A_48 = arith.cmpi sgt, %scan3A_29, %gt3A : i32
      %convert_element_type3A = arith.extui %gt3A_48 : i1 to i32
      %cond3A = arith.constant 0 : i32
      %cond3A_49 = arith.cmpi ne, %convert_element_type3A, %cond3A : i32
      scf.if %cond3A_49 {
        %sub3A = arith.constant 2 : i32
        %sub3A_83 = arith.subi %add3A_33, %sub3A : i32
        %add3A_84 = arith.addi %mul3A_2, %sub3A_83 : i32
        %mul3A_85 = arith.constant 128 : i32
        %mul3A_86 = arith.muli %add3A_84, %mul3A_85 : i32
        %dma_wait3A_87 = arith.constant 0 : i32
        %dma_wait3A_88 = tpu.memref_slice %arg4[%mul3A_86, %dma_wait3A_87] : memref<327680x128xf32, #tpu.memory_space<hbm>> -> memref<128x128xf32, #tpu.memory_space<hbm>>
        %dma_wait3A_89 = arith.constant 0 : i32
        %dma_wait3A_90 = tpu.memref_slice %arg4[%mul3A_86, %dma_wait3A_89] : memref<327680x128xf32, #tpu.memory_space<hbm>> -> memref<128x128xf32, #tpu.memory_space<hbm>>
        tpu.wait_dma2 semaphore(%arg10 : memref<!tpu.dma_semaphore, #tpu.memory_space<semaphore_mem>>) src(%arg6 : memref<128x128xf32, #tpu.memory_space<vmem>>) dst(%dma_wait3A_90 : memref<128x128xf32, #tpu.memory_space<hbm>>)
      } else {
      }
      %add3A_50 = arith.addi %mul3A_2, %add3A_33 : i32
      %mul3A_51 = arith.constant 128 : i32
      %mul3A_52 = arith.muli %add3A_50, %mul3A_51 : i32
      %dma_start3A_53 = arith.constant 0 : i32
      %dma_start3A_54 = tpu.memref_slice %arg4[%mul3A_52, %dma_start3A_53] : memref<327680x128xf32, #tpu.memory_space<hbm>> -> memref<128x128xf32, #tpu.memory_space<hbm>>
      %dma_start3A_55 = arith.constant 0 : i32
      %dma_start3A_56 = tpu.memref_slice %arg4[%mul3A_52, %dma_start3A_55] : memref<327680x128xf32, #tpu.memory_space<hbm>> -> memref<128x128xf32, #tpu.memory_space<hbm>>
      tpu.enqueue_dma source(%arg6 : memref<128x128xf32, #tpu.memory_space<vmem>>) target(%dma_start3A_56 : memref<128x128xf32, #tpu.memory_space<hbm>>) target_semaphore(%arg10 : memref<!tpu.dma_semaphore, #tpu.memory_space<semaphore_mem>>)
      %mul3A_57 = arith.constant 2 : i32
      %mul3A_58 = arith.muli %mul3A_57, %scan3A_29 : i32
      %add3A_59 = arith.constant 1 : i32
      %add3A_60 = arith.addi %mul3A_58, %add3A_59 : i32
      %dma_wait3A_61 = arith.constant 0 : i32
      %dma_wait3A_62 = tpu.memref_slice %arg5[%add3A_60, %dma_wait3A_61] : memref<80x128xi32, #tpu.memory_space<vmem>> -> memref<1x128xi32, #tpu.memory_space<vmem>>
      %dma_wait3A_63 = tpu.memref_squeeze %dma_wait3A_62 : memref<1x128xi32, #tpu.memory_space<vmem>> -> memref<128xi32, #tpu.memory_space<vmem>>
      %dma_wait3A_64 = arith.constant 0 : i32
      %dma_wait3A_65 = arith.constant 0 : i32
      %dma_wait3A_66 = tpu.memref_slice %arg3[%dma_wait3A_64, %dma_wait3A_65] : memref<1000000x128xf32, #tpu.memory_space<hbm>> -> memref<1000000x128xf32, #tpu.memory_space<hbm>>
      tpu.wait_indirect_dma semaphore(%arg9 : memref<!tpu.dma_semaphore, #tpu.memory_space<semaphore_mem>>) src(%dma_wait3A_66 : memref<1000000x128xf32, #tpu.memory_space<hbm>>) dst(%arg7 : memref<128x128xf32, #tpu.memory_space<vmem>>)
      %lt3A = arith.constant 39 : i32
      %lt3A_67 = arith.cmpi slt, %scan3A_29, %lt3A : i32
      %convert_element_type3A_68 = arith.extui %lt3A_67 : i1 to i32
      %cond3A_69 = arith.constant 0 : i32
      %cond3A_70 = arith.cmpi ne, %convert_element_type3A_68, %cond3A_69 : i32
      scf.if %cond3A_70 {
        %add3A_83 = arith.constant 1 : i32
        %add3A_84 = arith.addi %add3A_60, %add3A_83 : i32
        %dma_start3A_85 = arith.constant 0 : i32
        %dma_start3A_86 = tpu.memref_slice %arg5[%add3A_84, %dma_start3A_85] : memref<80x128xi32, #tpu.memory_space<vmem>> -> memref<1x128xi32, #tpu.memory_space<vmem>>
        %dma_start3A_87 = tpu.memref_squeeze %dma_start3A_86 : memref<1x128xi32, #tpu.memory_space<vmem>> -> memref<128xi32, #tpu.memory_space<vmem>>
        %dma_start3A_88 = arith.constant 0 : i32
        %dma_start3A_89 = arith.constant 0 : i32
        %dma_start3A_90 = tpu.memref_slice %arg3[%dma_start3A_88, %dma_start3A_89] : memref<1000000x128xf32, #tpu.memory_space<hbm>> -> memref<1000000x128xf32, #tpu.memory_space<hbm>>
        tpu.enqueue_indirect_dma source(%dma_start3A_90 : memref<1000000x128xf32, #tpu.memory_space<hbm>>) target(%arg6 : memref<128x128xf32, #tpu.memory_space<vmem>>) offsets(%dma_start3A_87 : memref<128xi32, #tpu.memory_space<vmem>>) semaphore(%arg8 : memref<!tpu.dma_semaphore, #tpu.memory_space<semaphore_mem>>)
      } else {
      }
      %gt3A_71 = arith.constant 0 : i32
      %gt3A_72 = arith.cmpi sgt, %scan3A_29, %gt3A_71 : i32
      %convert_element_type3A_73 = arith.extui %gt3A_72 : i1 to i32
      %cond3A_74 = arith.constant 0 : i32
      %cond3A_75 = arith.cmpi ne, %convert_element_type3A_73, %cond3A_74 : i32
      scf.if %cond3A_75 {
        %sub3A = arith.constant 2 : i32
        %sub3A_83 = arith.subi %add3A_60, %sub3A : i32
        %add3A_84 = arith.addi %mul3A_2, %sub3A_83 : i32
        %mul3A_85 = arith.constant 128 : i32
        %mul3A_86 = arith.muli %add3A_84, %mul3A_85 : i32
        %dma_wait3A_87 = arith.constant 0 : i32
        %dma_wait3A_88 = tpu.memref_slice %arg4[%mul3A_86, %dma_wait3A_87] : memref<327680x128xf32, #tpu.memory_space<hbm>> -> memref<128x128xf32, #tpu.memory_space<hbm>>
        %dma_wait3A_89 = arith.constant 0 : i32
        %dma_wait3A_90 = tpu.memref_slice %arg4[%mul3A_86, %dma_wait3A_89] : memref<327680x128xf32, #tpu.memory_space<hbm>> -> memref<128x128xf32, #tpu.memory_space<hbm>>
        tpu.wait_dma2 semaphore(%arg11 : memref<!tpu.dma_semaphore, #tpu.memory_space<semaphore_mem>>) src(%arg7 : memref<128x128xf32, #tpu.memory_space<vmem>>) dst(%dma_wait3A_90 : memref<128x128xf32, #tpu.memory_space<hbm>>)
      } else {
      }
      %add3A_76 = arith.addi %mul3A_2, %add3A_60 : i32
      %mul3A_77 = arith.constant 128 : i32
      %mul3A_78 = arith.muli %add3A_76, %mul3A_77 : i32
      %dma_start3A_79 = arith.constant 0 : i32
      %dma_start3A_80 = tpu.memref_slice %arg4[%mul3A_78, %dma_start3A_79] : memref<327680x128xf32, #tpu.memory_space<hbm>> -> memref<128x128xf32, #tpu.memory_space<hbm>>
      %dma_start3A_81 = arith.constant 0 : i32
      %dma_start3A_82 = tpu.memref_slice %arg4[%mul3A_78, %dma_start3A_81] : memref<327680x128xf32, #tpu.memory_space<hbm>> -> memref<128x128xf32, #tpu.memory_space<hbm>>
      tpu.enqueue_dma source(%arg7 : memref<128x128xf32, #tpu.memory_space<vmem>>) target(%dma_start3A_82 : memref<128x128xf32, #tpu.memory_space<hbm>>) target_semaphore(%arg11 : memref<!tpu.dma_semaphore, #tpu.memory_space<semaphore_mem>>)
    }
    %scan3A_13 = arith.constant 40 : i32
    %add3A_14 = arith.constant 78 : i32
    %add3A_15 = arith.addi %mul3A_2, %add3A_14 : i32
    %mul3A_16 = arith.constant 128 : i32
    %mul3A_17 = arith.muli %add3A_15, %mul3A_16 : i32
    %dma_wait3A = arith.constant 0 : i32
    %dma_wait3A_18 = tpu.memref_slice %arg4[%mul3A_17, %dma_wait3A] : memref<327680x128xf32, #tpu.memory_space<hbm>> -> memref<128x128xf32, #tpu.memory_space<hbm>>
    %dma_wait3A_19 = arith.constant 0 : i32
    %dma_wait3A_20 = tpu.memref_slice %arg4[%mul3A_17, %dma_wait3A_19] : memref<327680x128xf32, #tpu.memory_space<hbm>> -> memref<128x128xf32, #tpu.memory_space<hbm>>
    tpu.wait_dma2 semaphore(%arg10 : memref<!tpu.dma_semaphore, #tpu.memory_space<semaphore_mem>>) src(%arg6 : memref<128x128xf32, #tpu.memory_space<vmem>>) dst(%dma_wait3A_20 : memref<128x128xf32, #tpu.memory_space<hbm>>)
    %add3A_21 = arith.constant 79 : i32
    %add3A_22 = arith.addi %mul3A_2, %add3A_21 : i32
    %mul3A_23 = arith.constant 128 : i32
    %mul3A_24 = arith.muli %add3A_22, %mul3A_23 : i32
    %dma_wait3A_25 = arith.constant 0 : i32
    %dma_wait3A_26 = tpu.memref_slice %arg4[%mul3A_24, %dma_wait3A_25] : memref<327680x128xf32, #tpu.memory_space<hbm>> -> memref<128x128xf32, #tpu.memory_space<hbm>>
    %dma_wait3A_27 = arith.constant 0 : i32
    %dma_wait3A_28 = tpu.memref_slice %arg4[%mul3A_24, %dma_wait3A_27] : memref<327680x128xf32, #tpu.memory_space<hbm>> -> memref<128x128xf32, #tpu.memory_space<hbm>>
    tpu.wait_dma2 semaphore(%arg11 : memref<!tpu.dma_semaphore, #tpu.memory_space<semaphore_mem>>) src(%arg7 : memref<128x128xf32, #tpu.memory_space<vmem>>) dst(%dma_wait3A_28 : memref<128x128xf32, #tpu.memory_space<hbm>>)
    return
  }
}

</mosaic_0001>

<sc_bundles>
// kernel: _gather_sc.3.cloned.1.call-start
scs
__scs_entry_jumppad:
0x0: {  	(pc) =	sbr.rel $0x88, $3  }
0x1: {  	(tag) =	ssettag $0x0;
	lr =	simm.s32 $0x1  }
0x2: {  	[smem:$0x3F9F] =	sst lr;
	_ =	strace $0xD0000000  }
0x3: {  	_ = 	snop  }
0x4: {  	_ = 	snop  }
0x5: {  	_ = 	snop  }
0x6: {  	_ = 	snop  }
0x7: {  	_ = 	snop  }
__scs_overlays_trampoline_lowered:
0x8: {  	[smem:$0x3FAE] =	sst s0  }
0x9: {  	[smem:$0x3FAF] =	sst s1  }
0xa: {  	[smem:$0x3FB0] =	sst s2  }
0xb: {  	[smem:$0x3FB1] =	sst s3  }
0xc: {  	[smem:$0x3FB2] =	sst s4  }
0xd: {  	[smem:$0x3FB3] =	sst s5  }
0xe: {  	[smem:$0x3FB4] =	sst s6  }
0xf: {  	[smem:$0x3FB5] =	sst s7  }
0x10: {  	[smem:$0x3FB6] =	sst s8  }
0x11: {  	[smem:$0x3FB7] =	sst s9;
	s0 =	simm.s32 @!p0 $0x0  }
0x12: {  	s1 =	sld [smem:$0x3F9D];
	s0 =	simm.s32 @p0 $0x1  }
0x13: {  	[smem:$0x3FB8] =	sst s0;
	s0 =	simm.s32 @!p1 $0x0  }
0x14: {  	s2 =	sld [smem:$0x3F9C];
	s0 =	simm.s32 @p1 $0x1  }
0x15: {  	[smem:$0x3FB9] =	sst s0;
	s0 =	simm.s32 @!p2 $0x0  }
0x16: {  	s3 =	sld [smem:$0x3FDB];
	s0 =	simm.s32 @p2 $0x1  }
0x17: {  	s4 =	simm.s32 $0x1BF5;
	[smem:$0x3FBB] =	sst s0  }
0x18: {  	s0 =	sld [smem:$0x3F9E];
	_ =	swait.ge [sflag:s4], $0x0  }
0x19: {  	s7 =	sld [smem:$0x3F9F]  }
0x1a: {  	s8 =	sadd.s32 $0xFFFFE003, lr  }
0x1b: {  	s9 =	sadd.s32 $0xFFFFFEF7, lr;
	s5 =	simm.s32 $0xFFFFFFFF;
	p2 =	slt.u32 s8, $0xFFFFF086  }
0x1c: {  	p1 =	slt.u32 s9, $0xF7A;
	s5 =	simm.s32 @!p2 $0x0  }
0x1d: {  	s5 =	simm.s32 @p1 $0x1;
	p0 =	seq.s32 s7, s2  }
0x1e: {  	s7 =	smul.u32 @!p0 $0xF7A, s2;
	p2 =	seq.s32 @!p0 s5, $0x0  }
0x1f: {  	s9 =	smul.u32 $0xF7A, s1;
	s8 =	simm.s32 @!p0 $0x1BF5;
	p2 =	por !p2, p0  }
0x20: {  	[sflag:s8] =	ssyncset.s32 @!p0 $0xFFFFF086;
	s6 =	sadd.s32 @!p0 s3, s7;
	s7 =	simm.s32 @!p0 $0x108  }
0x21: {  	s3 =	sadd.s32 s3, s9;
	s6 =	sadd.s32 @!p0 $0x88, s6;
	s7 =	simm.s32 @p2 $0x1082  }
0x22: {  	[simem:s7], [sflag:s8] =	dma.local @!p0 [hbm:s6], $0xF7A  }
0x23: {  	s9 =	sor.u32 $0xD0000000, s2;
	s6 =	simm.s32 $0x108;
	_ =	swait.ge @!p0 [sflag:s8], $0x0  }
0x24: {  	s3 =	sadd.s32 $0x88, s3;
	s6 =	simm.s32 @!p1 $0x1082;
	[sflag:s4] =	ssyncset.s32 $0xFFFFF086  }
0x25: {  	[simem:s6], [sflag:s4] =	dma.local [hbm:s3], $0xF7A  }
0x26: {  	[smem:$0x3F9F] =	sst s1;
	(tag) =	ssettag s2;
	_ =	strace s9  }
0x27: {  	s1 =	sld [smem:$0x3FAF]  }
0x28: {  	s2 =	sld [smem:$0x3FB0]  }
0x29: {  	s4 =	sld [smem:$0x3FB2]  }
0x2a: {  	p0 =	seq.s32 s5, $0x0;
	s5 =	sld [smem:$0x3FB3]  }
0x2b: {  	s6 =	sld [smem:$0x3FB4]  }
0x2c: {  	s7 =	sld [smem:$0x3FB5]  }
0x2d: {  	s3 =	simm.s32 $0x108;
	s8 =	sld [smem:$0x3FB6]  }
0x2e: {  	s3 =	simm.s32 @!p0 $0x1082;
	s9 =	sld [smem:$0x3FB7]  }
0x2f: {  	lr =	sadd.s32 s0, s3;
	s0 =	sld [smem:$0x3FAE]  }
0x30: {  	s3 =	sld [smem:$0x3FB1]  }
0x31: {  	[smem:$0x3FBA] =	sst s10  }
0x32: {  	s10 =	sld [smem:$0x3FB8];
	_ =	sdelay $0x3  }
0x33: {  	p0 =	seq.s32 s10, $0x1;
	s10 =	sld [smem:$0x3FBA];
	_ =	sdelay $0x3  }
0x34: {  	[smem:$0x3FBA] =	sst s10  }
0x35: {  	s10 =	sld [smem:$0x3FB9];
	_ =	sdelay $0x3  }
0x36: {  	p1 =	seq.s32 s10, $0x1;
	s10 =	sld [smem:$0x3FBA];
	_ =	sdelay $0x3  }
0x37: {  	[smem:$0x3FBA] =	sst s10  }
0x38: {  	s10 =	sld [smem:$0x3FBB]  }
0x39: {  	_ = 	snop;
	(pc) =	sbr.ind lr, $3  }
0x3a: {  	_ = 	snop  }
0x3b: {  	_ = 	snop  }
0x3c: {  	p2 =	seq.s32 s10, $0x1;
	s10 =	sld [smem:$0x3FBA]  }
0x3d: {  	_ =	shalt  }
0x3e: {  	_ =	shalt  }
0x3f: {  	_ =	shalt  }
0x40: {  	_ =	shalt  }
0x41: {  	_ =	shalt  }
0x42: {  	_ =	shalt  }
0x43: {  	_ =	shalt  }
0x44: {  	_ =	shalt  }
0x45: {  	_ =	shalt  }
0x46: {  	_ =	shalt  }
0x47: {  	_ =	shalt  }
0x48: {  	_ =	shalt  }
0x49: {  	_ =	shalt  }
0x4a: {  	_ =	shalt  }
0x4b: {  	_ =	shalt  }
0x4c: {  	_ =	shalt  }
0x4d: {  	_ =	shalt  }
0x4e: {  	_ =	shalt  }
0x4f: {  	_ =	shalt  }
0x50: {  	_ =	shalt  }
0x51: {  	_ =	shalt  }
0x52: {  	_ =	shalt  }
0x53: {  	_ =	shalt  }
0x54: {  	_ =	shalt  }
0x55: {  	_ =	shalt  }
0x56: {  	_ =	shalt  }
0x57: {  	_ =	shalt  }
0x58: {  	_ =	shalt  }
0x59: {  	_ =	shalt  }
0x5a: {  	_ =	shalt  }
0x5b: {  	_ =	shalt  }
0x5c: {  	_ =	shalt  }
0x5d: {  	_ =	shalt  }
0x5e: {  	_ =	shalt  }
0x5f: {  	_ =	shalt  }
0x60: {  	_ =	shalt  }
0x61: {  	_ =	shalt  }
0x62: {  	_ =	shalt  }
0x63: {  	_ =	shalt  }
0x64: {  	_ =	shalt  }
0x65: {  	_ =	shalt  }
0x66: {  	_ =	shalt  }
0x67: {  	_ =	shalt  }
0x68: {  	_ =	shalt  }
0x69: {  	_ =	shalt  }
0x6a: {  	_ =	shalt  }
0x6b: {  	_ =	shalt  }
0x6c: {  	_ =	shalt  }
0x6d: {  	_ =	shalt  }
0x6e: {  	_ =	shalt  }
0x6f: {  	_ =	shalt  }
0x70: {  	_ =	shalt  }
0x71: {  	_ =	shalt  }
0x72: {  	_ =	shalt  }
0x73: {  	_ =	shalt  }
0x74: {  	_ =	shalt  }
0x75: {  	_ =	shalt  }
0x76: {  	_ =	shalt  }
0x77: {  	_ =	shalt  }
0x78: {  	_ =	shalt  }
0x79: {  	_ =	shalt  }
0x7a: {  	_ =	shalt  }
0x7b: {  	_ =	shalt  }
0x7c: {  	_ =	shalt  }
0x7d: {  	_ =	shalt  }
0x7e: {  	_ =	shalt  }
0x7f: {  	_ =	shalt  }
0x80: {  	_ =	shalt  }
0x81: {  	_ =	shalt  }
0x82: {  	_ =	shalt  }
0x83: {  	_ =	shalt  }
0x84: {  	_ =	shalt  }
0x85: {  	_ =	shalt  }
0x86: {  	_ =	shalt  }
0x87: {  	_ =	shalt  }
.Lfunc_end0:
.L_simem_size_0:
called_computation_lowered:
.L_overlay_start_0:
0x88: {  	s2 =	sld [smem:$0x3FD9]  }
0x89: {  	s3 =	sld [smem:$0x3FFE];
	_ =	sdelay $0x1  }
0x8a: {  	s1 =	srdreg.scid  }
0x8b: {  	s0 =	sand.u32 $0x1, s1  }
0x8c: {  	s18 =	sshll.u32 s0, $0xA;
	s2 =	sadd.s32 s3, s2  }
0x8d: {  	s2 =	sadd.s32 s2, s18  }
0x8e: {  	[smem:$0x3FC6] =	sst s2  }
0x8f: {  	_ = 	snop  }
0x90: {  	s2 =	sld [smem:$0x3FC9]  }
0x91: {  	s19 =	sld [smem:$0x3FC8]  }
0x92: {  	s4 =	sld [smem:$0x3FD0];
	(tm) =	ssettm $0x1  }
0x93: {  	s5 =	sld [smem:$0x3FFB];
	_ =	sdelay $0x3  }
0x94: {  	_ =	strace s5  }
0x95: {  	s5 =	sld [smem:$0x3FFC];
	_ =	sdelay $0x3  }
0x96: {  	_ =	strace s5  }
0x97: {  	s5 =	sld [smem:$0x3FFD];
	_ =	sdelay $0x3  }
0x98: {  	_ =	strace s5  }
0x99: {  	_ =	strace $0x8FFFFFFF  }
0x9a: {  	s20 =	sld [smem:$0x3FDB];
	_ =	sdelay $0x1  }
0x9b: {  	s6 =	simm.s32 $_scs_section_size  }
0x9c: {  	s7 =	simm.s32 $_size__tile_overlayer_lowered;
	s8 =	simm.s32 $_tile_overlayer_lowered  }
0x9d: {  	s23 =	simm.s32 $0x1BFF;
	s22 =	sshll.u32 s8, $0x1;
	s5 =	sadd.s32 s6, s20  }
0x9e: {  	s9 =	simm.s32 $0x0;
	s21 =	sshll.u32 s7, $0x1;
	s7 =	sadd.s32 s22, s5  }
0x9f: {  	[timem:s9], [sflag:s23] =	dma.local [hbm:s7], s21  }
0xa0: {  	_ =	swait.ge [sflag:s23], s21  }
0xa1: {  	s6 =	ssub.s32 $0x0, s21;
	[sflag:s23] =	ssyncset.done $0x0  }
0xa2: {  	[sflag:s23] =	ssyncadd.s32 s6;
	_ =	sdelay $0x1  }
0xa3: {  	s24 =	simm.s32 $0x1B8B  }
0xa4: {  	_ =	swait.ge [sflag:s24], $0x1  }
0xa5: {  	[sflag:s24] =	ssyncset.done $0x0  }
0xa6: {  	s25 =	simm.s32 $0x1B8E;
	[sflag:s24] =	ssyncadd.s32 $0xFFFFFFFF  }
0xa7: {  	s26 =	simm.s32 $execute0_lowered;
	[smem:$0x3FD2] =	sst s25  }
0xa8: {  	s6 =	sshll.u32 s26, $0x1;
	_ =	strace $0x80000046;
	[dreg:$0x1] =	wrdreg $0xFFFFFFFF  }
0xa9: {  	s28 =	simm.s32 $_size_execute0_lowered;
	s5 =	sadd.s32 s5, s6;
	[dreg:$0x0] =	wrdreg $0x0  }
0xaa: {  	s6 =	sshll.u32 s28, $0x1;
	[dreg:$0x2] =	wrdreg s5  }
0xab: {  	[dreg:$0x3] =	wrdreg s6  }
0xac: {  	[dreg:$0x4] =	wrdreg $0xC0  }
0xad: {  	_ =	task [dreg:s9], $0x5FFFF  }
0xae: {  	[dreg:$0x1] =	wrdreg $0xFFFFFFFF  }
0xaf: {  	[dreg:$0x0] =	wrdreg $0x60  }
0xb0: {  	[dreg:$0x2] =	wrdreg s2  }
0xb1: {  	[dreg:$0x3] =	wrdreg s19  }
0xb2: {  	[dreg:$0x4] =	wrdreg s4  }
0xb3: {  	[dreg:$0x5] =	wrdreg $0x9  }
0xb4: {  	_ =	task.clear_ibuf [dreg:s9], $0x6FFFF;
	_ =	strace $0x90000046  }
0xb5: {  	s29 =	simm.s32 $0x9;
	_ =	strace $0x80000048  }
0xb6: {  	_ =	swait.ge [sflag:s29], $0x1  }
0xb7: {  	[sflag:s29] =	ssyncadd.s32 $0xFFFFFFFF  }
0xb8: {  	_ =	strace $0x90000048  }
0xb9: {  	_ =	sfence  }
0xba: {  	s30 =	sld [smem:$0x0];
	_ =	sdelay $0x2  }
0xbb: {  	s31 =	sshll.u32 s1, $0xD;
	s1 =	sshrl.u32 s1, $0x2  }
0xbc: {  	s3 =	sand.u32 $0x4000, s31;
	s1 =	sadd.s32 s1, s30  }
0xbd: {  	s0 =	sor.u32 s3, s0;
	s1 =	sshll.u32 s1, $0x11  }
0xbe: {  	s0 =	sor.u32 s1, s0  }
0xbf: {  	s0 =	sadd.s32 $0x8F2B, s0  }
0xc0: {  	[sflag:s0] =	ssyncadd.remote.s32 $0x1  }
0xc1: {  	_ =	sfence.sel $0xFFFF  }
0xc2: {  	[dreg:$0x0] =	wrdreg $0xFFFFFFFF;
	(pc) =	sbr.abs _section_cstart, $3  }
0xc3: {  	[dreg:$0x1] =	wrdreg $0xFFFFFFFF  }
0xc4: {  	_ =	task.clear_ibuf [dreg:s9], $0x2FFFF;
	_ =	strace $0x9FFFFFFF  }
0xc5: {  	(tm) =	ssettm $0x7FFFFFFF  }
tec
execute0_lowered:
.L_overlay_start_1:
0x0: {  	(tag) =	ssettag $0x1  }
0x1: {  	s4 =	rddreg [dreg:$0x0]  }
0x2: {  	s1 =	srdreg.scid;
	s2 =	rddreg [dreg:$0x1]  }
0x3: {  	s0 =	stileid.u32;
	s9 =	rddreg [dreg:$0x2];
	s13 =	simm.s32 $0x80  }
0x4: {  	s14 =	simm.s32 $0x2800;
	s15 =	simm.s32 $0x1;
	s16 =	simm.s32 $0x6800  }
0x5: {  	s17 =	simm.s32 $0x2;
	s18 =	simm.s32 $0x100;
	s19 =	simm.s32 $0x3  }
0x6: {  	s20 =	simm.s32 $0x4;
	s21 =	simm.s32 $0x2780;
	s11 =	smul.u32 $0xA0, s0  }
0x7: {  	s8 =	sand.u32 $0x1, s1;
	s29 =	sshll.u32 s0, $0x1;
	s31 =	smul.u32 $0x50000, s0  }
0x8: {  	s22 =	simm.s32 $0x0;
	s3 =	sor.u32 s8, s29;
	s30 =	smul.u32 $0x50, s8  }
0x9: {  	s1 =	rddreg [dreg:$0x3];
	s6 =	ssub.s32 $0x2, s8;
	s5 =	smul.u32 $0x500, s3  }
0xa: {  	s7 =	smul.u32 $0x28000, s3;
	s3 =	simm.s32 $0x0;
	s10 =	sshrl.u32 s6, $0x1  }
0xb: {  	s12 =	smul.u32 $0x28000, s8;
	[smem:$0x7FF] =	sst s3;
	s6 =	ssub.s32 s6, s10  }
0xc: {  	s10 =	sadd.s32 s30, s11;
	s11 =	sadd.s32 s31, s9;
	_ =	strace $0x80000047  }
0xd: {  	s4 =	sadd.s32 s4, s5;
	s5 =	smax.u32 s6, $0x1;
	s6 =	sadd.s32 s9, s7  }
0xe: {  	s10 =	sshll.u32 s10, $0xB;
	s11 =	sadd.s32 s12, s11;
	s12 =	simm.s32 $0x5  }
0xf: {  	s7 =	sadd.s32 $0x800, s6;
	s8 =	sadd.s32 $0x27000, s6;
	s10 =	sadd.s32 s10, s9  }
0x10: {  	s9 =	sadd.s32 $0x27800, s6;
	s11 =	sadd.s32 $0x1000, s11;
	s10 =	sadd.s32 $0x1800, s10  }
.LBB2_1:
0x11: {  	[tilespmem:s3], [sflag:$0x5] =	stream.linear.gather [hbm4b:s4+s3], $0x2800, $0x38;
	[tilespmem:$0xA800] =	vst v63  }
0x12: {  	_ =	swait.ge [sflag:s12], $0x2800  }
0x13: {  	[sflag:s12] =	ssyncset.done $0x0  }
0x14: {  	[sflag:s12] =	ssyncadd.s32 $0xFFFFD800  }
0x15: {  	[tilespmem:s14], [sflag:$0x1] =	stream.indirect.gather [hbm4b:s2+s13], $0x80, s3, s13, $0xb8;
	[tilespmem:$0xA800] =	vst v63  }
0x16: {  	_ =	swait.ge [sflag:s15], $0x4000  }
0x17: {  	[sflag:s15] =	ssyncset.done $0x0  }
0x18: {  	[sflag:s15] =	ssyncadd.s32 $0xFFFFC000  }
0x19: {  	[tilespmem:s16], [sflag:$0x2] =	stream.indirect.gather [hbm4b:s2+s13], $0x80, s13, s13, $0xb8;
	[tilespmem:$0xA800] =	vst v63  }
0x1a: {  	_ = 	snop  }
0x1b: {  	[hbm4b:s6+s3] =	stream.linear.scatter [tilespmem:s14], [sflag:$0x3], $0x4000, $0x38;
	[tilespmem:$0xA800] =	vst v63  }
0x1c: {  	_ =	swait.ge [sflag:s17], $0x4000  }
0x1d: {  	[sflag:s17] =	ssyncset.done $0x0  }
0x1e: {  	[sflag:s17] =	ssyncadd.s32 $0xFFFFC000  }
0x1f: {  	[tilespmem:s14], [sflag:$0x1] =	stream.indirect.gather [hbm4b:s2+s13], $0x80, s18, s13, $0xb8;
	[tilespmem:$0xA800] =	vst v63  }
0x20: {  	_ = 	snop  }
0x21: {  	[hbm4b:s7+s3] =	stream.linear.scatter [tilespmem:s16], [sflag:$0x4], $0x4000, $0x38;
	[tilespmem:$0xA800] =	vst v63  }
0x22: {  	_ =	swait.ge [sflag:s15], $0x4000  }
0x23: {  	[sflag:s15] =	ssyncset.done $0x0  }
0x24: {  	s23 =	simm.s32 $0x180;
	[sflag:s15] =	ssyncadd.s32 $0xFFFFC000  }
0x25: {  	[tilespmem:s16], [sflag:$0x2] =	stream.indirect.gather [hbm4b:s2+s13], $0x80, s23, s13, $0xb8;
	[tilespmem:$0xA800] =	vst v63  }
0x26: {  	_ =	swait.ge [sflag:s19], $0x4000  }
0x27: {  	[sflag:s19] =	ssyncset.done $0x0  }
0x28: {  	s30 =	sadd.s32 $0x0, s11;
	[sflag:s19] =	ssyncadd.s32 $0xFFFFC000  }
0x29: {  	[hbm4b:s30+s3] =	stream.linear.scatter [tilespmem:s14], [sflag:$0x3], $0x4000, $0x38;
	[tilespmem:$0xA800] =	vst v63  }
0x2a: {  	_ =	swait.ge [sflag:s17], $0x4000  }
0x2b: {  	[sflag:s17] =	ssyncset.done $0x0  }
0x2c: {  	s31 =	simm.s32 $0x200;
	[sflag:s17] =	ssyncadd.s32 $0xFFFFC000  }
0x2d: {  	[tilespmem:s14], [sflag:$0x1] =	stream.indirect.gather [hbm4b:s2+s13], $0x80, s31, s13, $0xb8;
	[tilespmem:$0xA800] =	vst v63  }
0x2e: {  	_ =	swait.ge [sflag:s20], $0x4000  }
0x2f: {  	s25 =	sadd.s32 $0x0, s10;
	[sflag:s20] =	ssyncset.done $0x0  }
0x30: {  	s24 =	simm.s32 $0x300;
	s23 =	simm.s32 $0x1000;
	[sflag:s20] =	ssyncadd.s32 $0xFFFFC000  }
.LBB2_2:
0x31: {  	[hbm4b:s25+s3] =	stream.linear.scatter [tilespmem:s16], [sflag:$0x4], $0x4000, $0x38;
	[tilespmem:$0xA800] =	vst v63  }
0x32: {  	s25 =	smov.u32 s23  }
0x33: {  	p0 =	sne.s32 s23, $0x25000;
	s23 =	sadd.s32 $0x1000, s23;
	_ =	swait.ge [sflag:s15], $0x4000  }
0x34: {  	[sflag:s15] =	ssyncset.done $0x0  }
0x35: {  	s26 =	sadd.s32 $0xFFFFFF80, s24;
	[sflag:s15] =	ssyncadd.s32 $0xFFFFC000  }
0x36: {  	[tilespmem:s16], [sflag:$0x2] =	stream.indirect.gather [hbm4b:s2+s13], $0x80, s26, s13, $0xb8;
	[tilespmem:$0xA800] =	vst v63  }
0x37: {  	_ =	swait.ge [sflag:s19], $0x4000  }
0x38: {  	[sflag:s19] =	ssyncset.done $0x0  }
0x39: {  	s26 =	sadd.s32 s25, s11;
	[sflag:s19] =	ssyncadd.s32 $0xFFFFC000  }
0x3a: {  	[hbm4b:s26+s3] =	stream.linear.scatter [tilespmem:s14], [sflag:$0x3], $0x4000, $0x38;
	[tilespmem:$0xA800] =	vst v63  }
0x3b: {  	_ =	swait.ge [sflag:s17], $0x4000  }
0x3c: {  	[sflag:s17] =	ssyncset.done $0x0  }
.Ltmp0:
0x3d: {  	[sflag:s17] =	ssyncadd.s32 $0xFFFFC000;
	(pc) =	sbr.rel @p0 .LBB2_2-.Ltmp0, $4  }
0x3e: {  	[tilespmem:s14], [sflag:$0x1] =	stream.indirect.gather [hbm4b:s2+s13], $0x80, s24, s13, $0xb8;
	[tilespmem:$0xA800] =	vst v63  }
0x3f: {  	_ =	swait.ge [sflag:s20], $0x4000  }
0x40: {  	[sflag:s20] =	ssyncset.done $0x0  }
0x41: {  	s25 =	sadd.s32 s25, s10;
	s24 =	sadd.s32 $0x100, s24;
	[sflag:s20] =	ssyncadd.s32 $0xFFFFC000  }
0x42: {  	[hbm4b:s25+s3] =	stream.linear.scatter [tilespmem:s16], [sflag:$0x4], $0x4000, $0x38;
	[tilespmem:$0xA800] =	vst v63  }
0x43: {  	_ =	swait.ge [sflag:s15], $0x4000  }
0x44: {  	[sflag:s15] =	ssyncset.done $0x0  }
0x45: {  	[sflag:s15] =	ssyncadd.s32 $0xFFFFC000  }
0x46: {  	[tilespmem:s16], [sflag:$0x2] =	stream.indirect.gather [hbm4b:s2+s13], $0x80, s21, s13, $0xb8;
	[tilespmem:$0xA800] =	vst v63  }
0x47: {  	_ =	swait.ge [sflag:s19], $0x4000  }
0x48: {  	[sflag:s19] =	ssyncset.done $0x0  }
0x49: {  	[sflag:s19] =	ssyncadd.s32 $0xFFFFC000  }
0x4a: {  	[hbm4b:s8+s3] =	stream.linear.scatter [tilespmem:s14], [sflag:$0x3], $0x4000, $0x38;
	[tilespmem:$0xA800] =	vst v63  }
0x4b: {  	_ =	swait.ge [sflag:s17], $0x4000  }
0x4c: {  	[sflag:s17] =	ssyncset.done $0x0  }
0x4d: {  	[sflag:s17] =	ssyncadd.s32 $0xFFFFC000  }
0x4e: {  	_ =	swait.ge [sflag:s20], $0x4000  }
0x4f: {  	[sflag:s20] =	ssyncset.done $0x0  }
0x50: {  	s22 =	sadd.s32 $0x1, s22;
	[sflag:s20] =	ssyncadd.s32 $0xFFFFC000  }
0x51: {  	[hbm4b:s9+s3] =	stream.linear.scatter [tilespmem:s16], [sflag:$0x4], $0x4000, $0x38;
	[tilespmem:$0xA800] =	vst v63  }
0x52: {  	p0 =	sne.s32 s22, s5;
	_ =	swait.ge [sflag:s19], $0x4000  }
.Ltmp1:
0x53: {  	[sflag:s19] =	ssyncset.done $0x0;
	(pc) =	sbr.rel @p0 .LBB2_1-.Ltmp1, $4  }
0x54: {  	[sflag:s19] =	ssyncadd.s32 $0xFFFFC000  }
0x55: {  	_ =	swait.ge [sflag:s20], $0x4000  }
0x56: {  	[sflag:s20] =	ssyncset.done $0x0  }
0x57: {  	[sflag:s20] =	ssyncadd.s32 $0xFFFFC000  }
0x58: {  	_ =	sfence.sel $0x180000  }
0x59: {  	[bflag:$0x0] =	sbarrier.arrive $0xFFFF  }
0x5a: {  	p0 =	sne.s32 s0, $0x0;
	_ =	strace $0x90000047  }
0x5b: {  	s0 =	sadd.s32 @!p0 $0x100000, s1;
	[bflag:$0x2] =	sbarrier.arrive $0xFFFF  }
0x5c: {  	[sflag:s0] =	ssyncadd.tile.s32 @!p0 $0x1;
	_ =	shalt  }
.Lfunc_end2:
_tile_overlayer_lowered:
.L_overlay_start_2:
0x5d: {  	(tag) =	ssettag $0x2  }
0x5e: {  	s0 =	rddreg [dreg:$0x0];
	s2 =	stileid.u32  }
0x5f: {  	s1 =	rddreg [dreg:$0x1];
	p0 =	sne.s32 s2, $0x0  }
0x60: {  	s3 =	rddreg [dreg:$0x2];
	[bflag:$0x3] =	sbarrier.arrive $0xFFFF;
	s2 =	simm.s32 @!p0 $0x1C05  }
0x61: {  	[timem:s3], [sflag:s2] =	dma.local @!p0 [hbm:s0], s1  }
0x62: {  	s0 =	simm.s32 @!p0 $0x5  }
0x63: {  	_ =	swait.ge @!p0 [sflag:s0], s1  }
0x64: {  	s1 =	ssub.s32 @!p0 $0x0, s1;
	[sflag:s0] =	ssyncset.done @!p0 $0x0  }
0x65: {  	[sflag:s0] =	ssyncadd.s32 @!p0 s1  }
0x66: {  	[bflag:$0x3] =	sbarrier.arrive $0xFFFF  }
0x67: {  	_ =	shalt  }

</sc_bundles>
